<compile_context>
chip_gen: v7x
topology: tpu7x:2x2x1
jax: 0.10.2.dev20260603
libtpu: 0.0.44.dev20260713+nightly
codegen_flags: <defaults>
</compile_context>

<pallas_src>
import jax
import jax.numpy as jnp
from jax import lax
from jax.experimental import pallas as pl
from jax.experimental.pallas import tpu as pltpu
from jax.experimental.pallas import tpu_sc as plsc

NR_IDENTIFIERS = 20000
NR_SYMBOLS = 10000
NR_OCCURRENCES = 320000
D = 128

NC = 2
NS = 16
NW = NC * NS

SYM_PAD = 10240
OCC_PER_TILE = NR_OCCURRENCES // NW
KROWS = 80
NCHUNK = OCC_PER_TILE // KROWS
GPT = 384
GATHER_PAD = NW * GPT

ROWS_PER_TILE = SYM_PAD // NS
LANES = 16


def _sc_body(occ_hbm, occidx_hbm, z128_hbm, z1d_hbm,
             sums_out, cnts_out,
             rows_v, idx_v, rows_b, idx_b, cnt_v, sums_sh,
             sem_ra, sem_ia, sem_rb, sem_ib, sem_sa, sem_sb):
    c = lax.axis_index("c")
    s = lax.axis_index("s")
    w = c * NS + s
    zlo = s * ROWS_PER_TILE
    olo = c * SYM_PAD + zlo

    pltpu.sync_copy(z128_hbm, rows_v)

    def zinit(k, carry):
        pltpu.sync_copy(rows_v, sums_sh.at[pl.ds(zlo + k * KROWS, KROWS)])
        return carry

    lax.fori_loop(0, ROWS_PER_TILE // KROWS, zinit, 0)
    pltpu.sync_copy(z1d_hbm, cnt_v)

    plsc.subcore_barrier()

    base = w * OCC_PER_TILE
    ones16 = jnp.ones((LANES,), jnp.float32)

    def start_load(off, rows_buf, idx_buf, sem_r, sem_i):
        pltpu.async_copy(occ_hbm.at[pl.ds(off, KROWS)], rows_buf, sem_r)
        pltpu.async_copy(occidx_hbm.at[pl.ds(off, KROWS)], idx_buf, sem_i)

    def wait_load(off, rows_buf, idx_buf, sem_r, sem_i):
        pltpu.make_async_copy(
            occ_hbm.at[pl.ds(off, KROWS)], rows_buf, sem_r).wait()
        pltpu.make_async_copy(
            occidx_hbm.at[pl.ds(off, KROWS)], idx_buf, sem_i).wait()

    def process(rows_buf, idx_buf, sem_s):
        d = pltpu.async_copy(rows_buf, sums_sh.at[idx_buf], sem_s, add=True)
        for t in range(KROWS // LANES):
            iv = idx_buf[pl.ds(t * LANES, LANES)]
            plsc.addupdate_scatter(cnt_v, [iv], ones16)
        d.wait()

    start_load(pl.multiple_of(base, 8), rows_v, idx_v, sem_ra, sem_ia)

    def pair(k, carry):
        j = 2 * k
        off_a = pl.multiple_of(base + j * KROWS, 8)
        off_b = pl.multiple_of(base + (j + 1) * KROWS, 8)
        off_n = pl.multiple_of(
            base + jnp.minimum(j + 2, NCHUNK - 1) * KROWS, 8)
        start_load(off_b, rows_b, idx_b, sem_rb, sem_ib)
        wait_load(off_a, rows_v, idx_v, sem_ra, sem_ia)
        process(rows_v, idx_v, sem_sa)
        start_load(off_n, rows_v, idx_v, sem_ra, sem_ia)
        wait_load(off_b, rows_b, idx_b, sem_rb, sem_ib)
        process(rows_b, idx_b, sem_sb)
        return carry

    lax.fori_loop(0, NCHUNK // 2, pair, 0)
    off_t = pl.multiple_of(base + (NCHUNK - 1) * KROWS, 8)
    wait_load(off_t, rows_v, idx_v, sem_ra, sem_ia)
    process(rows_v, idx_v, sem_sa)

    plsc.subcore_barrier()

    def wout(k, carry):
        pltpu.sync_copy(sums_sh.at[pl.ds(zlo + k * KROWS, KROWS)], rows_v)
        pltpu.sync_copy(rows_v, sums_out.at[pl.ds(olo + k * KROWS, KROWS)])
        return carry

    lax.fori_loop(0, ROWS_PER_TILE // KROWS, wout, 0)
    pltpu.sync_copy(cnt_v, cnts_out.at[w])


def _gather_body(enc_hbm, gidx_hbm, gath_out, gidx_v, grows_v):
    c = lax.axis_index("c")
    s = lax.axis_index("s")
    w = c * NS + s
    pltpu.sync_copy(gidx_hbm.at[w], gidx_v)
    for j in range(GPT // 128):
        pltpu.sync_copy(enc_hbm.at[gidx_v.at[j]],
                        grows_v.at[pl.ds(j * 128, 128)])
    pltpu.sync_copy(grows_v, gath_out.at[pl.ds(w * GPT, GPT)])


def _sc_mesh():
    return plsc.VectorSubcoreMesh(core_axis_name="c", subcore_axis_name="s",
                                  num_cores=NC, num_subcores=NS)


@jax.jit
def _sc_stage(occ, occ_idx, z128, z1d):
    return pl.kernel(
        _sc_body,
        out_type=[
            jax.ShapeDtypeStruct((NC * SYM_PAD, D), jnp.float32),
            jax.ShapeDtypeStruct((NW, SYM_PAD), jnp.float32),
        ],
        mesh=_sc_mesh(),
        scratch_types=[
            pltpu.VMEM((KROWS, D), jnp.float32),
            pltpu.VMEM((KROWS,), jnp.int32),
            pltpu.VMEM((KROWS, D), jnp.float32),
            pltpu.VMEM((KROWS,), jnp.int32),
            pltpu.VMEM((SYM_PAD,), jnp.float32),
            pltpu.VMEM_SHARED((SYM_PAD, D), jnp.float32),
            pltpu.SemaphoreType.DMA,
            pltpu.SemaphoreType.DMA,
            pltpu.SemaphoreType.DMA,
            pltpu.SemaphoreType.DMA,
            pltpu.SemaphoreType.DMA,
            pltpu.SemaphoreType.DMA,
        ],
        compiler_params=pltpu.CompilerParams(needs_layout_passes=False),
    )(occ, occ_idx, z128, z1d)


@jax.jit
def _gather_stage(enc, gidx):
    return pl.kernel(
        _gather_body,
        out_type=[jax.ShapeDtypeStruct((GATHER_PAD, D), jnp.float32)],
        mesh=_sc_mesh(),
        scratch_types=[
            pltpu.VMEM((GPT // 128, 128), jnp.int32),
            pltpu.VMEM((GPT, D), jnp.float32),
        ],
    )(enc, gidx)


BT = 1024


def _tc_body(g_ref, s0_ref, s1_ref, c_ref, w1_ref, w2_ref, o_ref):
    cnt = jnp.maximum(jnp.sum(c_ref[...], axis=0), 1.0)
    acc = jnp.dot(g_ref[...], w1_ref[...], preferred_element_type=jnp.float32)
    acc2 = jnp.dot(s0_ref[...] + s1_ref[...], w2_ref[...],
                   preferred_element_type=jnp.float32)
    o_ref[...] = jnp.maximum(acc + acc2 / cnt[:, None], 0.0)


@jax.jit
def _tc_stage(g, s0, s1, cnts, w1t, w2t):
    grid = (SYM_PAD // BT,)
    return pl.pallas_call(
        _tc_body,
        grid=grid,
        in_specs=[
            pl.BlockSpec((BT, D), lambda i: (i, 0)),
            pl.BlockSpec((BT, D), lambda i: (i, 0)),
            pl.BlockSpec((BT, D), lambda i: (i, 0)),
            pl.BlockSpec((NW, BT), lambda i: (0, i)),
            pl.BlockSpec((D, D), lambda i: (0, 0)),
            pl.BlockSpec((D, D), lambda i: (0, 0)),
        ],
        out_specs=pl.BlockSpec((BT, D), lambda i: (i, 0)),
        out_shape=jax.ShapeDtypeStruct((SYM_PAD, D), jnp.float32),
    )(g, s0, s1, cnts, w1t, w2t)


def kernel(encoded_identifiers, symbols_identifier_indices,
           encodings_of_symbols_occurrences,
           symbols_indices_of_symbols_occurrences, W_comb):
    occ = encodings_of_symbols_occurrences
    occ_idx = symbols_indices_of_symbols_occurrences.astype(jnp.int32)

    gidx = jnp.zeros((GATHER_PAD,), jnp.int32)
    gidx = gidx.at[:NR_SYMBOLS].set(
        symbols_identifier_indices.astype(jnp.int32))
    gidx = gidx.reshape(NW, GPT // 128, 128)

    z128 = jnp.zeros((KROWS, D), jnp.float32)
    z1d = jnp.zeros((SYM_PAD,), jnp.float32)

    sums_f, cnts_p = _sc_stage(occ, occ_idx, z128, z1d)
    sums_p = sums_f.reshape(NC, SYM_PAD, D)
    gath = _gather_stage(encoded_identifiers, gidx)
    if isinstance(gath, (list, tuple)):
        gath = gath[0]

    w1t = W_comb[:, :D].T
    w2t = W_comb[:, D:].T
    out = _tc_stage(gath[:SYM_PAD], sums_p[0], sums_p[1], cnts_p, w1t, w2t)
    return out[:NR_SYMBOLS]

# --- scband reference (transcript-rebuilt; emitter-appended) ---
"""Pipeline reference for scband-symbols-encoder-54760833024024 (READ-ONLY COPY).

The authoritative reference and input builder live on the scoring server;
editing this copy changes nothing except your own understanding.
"""

import jax, jax.numpy as jnp
import numpy as np

NR_IDENTIFIERS = 20000
NR_SYMBOLS = 10000
NR_OCCURRENCES = 320000
EXPR_DIM = 128
ID_DIM = 128
SYM_DIM = 128


def setup_inputs(seed: int = 0) -> dict:
    key = jax.random.key(seed)
    k1, k2, k3, k4, k5 = jax.random.split(key, 5)
    encoded_identifiers = jax.random.normal(k1, (NR_IDENTIFIERS, ID_DIM), dtype=jnp.float32)
    symbols_identifier_indices = jax.random.randint(k2, (NR_SYMBOLS,), 0, NR_IDENTIFIERS, dtype=jnp.int64 if jax.config.read('jax_enable_x64') else jnp.int32)
    encodings_of_symbols_occurrences = jax.random.normal(k3, (NR_OCCURRENCES, EXPR_DIM), dtype=jnp.float32)
    symbols_indices_of_symbols_occurrences = jnp.sort(jax.random.randint(k4, (NR_OCCURRENCES,), 0, NR_SYMBOLS, dtype=jnp.int64 if jax.config.read('jax_enable_x64') else jnp.int32))
    # combiner linear: in_features = scatter_combiner_output_dim (EXPR_DIM) + ID_DIM, out = SYM_DIM, bias=False
    W_comb = jax.random.normal(k5, (SYM_DIM, EXPR_DIM + ID_DIM), dtype=jnp.float32) * 0.05
    return {
        'encoded_identifiers': encoded_identifiers,
        'symbols_identifier_indices': symbols_identifier_indices,
        'encodings_of_symbols_occurrences': encodings_of_symbols_occurrences,
        'symbols_indices_of_symbols_occurrences': symbols_indices_of_symbols_occurrences,
        'W_comb': W_comb,
    }


def reference(encoded_identifiers, symbols_identifier_indices, encodings_of_symbols_occurrences, symbols_indices_of_symbols_occurrences, W_comb):
    # symbols_identifiers_encodings = encoded_identifiers[symbols.symbols_identifier_indices.indices]
    symbols_identifiers_encodings = jnp.take(encoded_identifiers, symbols_identifier_indices, axis=0)
    nr_symbols = symbols_identifier_indices.shape[0]
    # ScatterCombiner with method='mean': scatter_mean over symbol indices
    sums = jax.ops.segment_sum(encodings_of_symbols_occurrences, symbols_indices_of_symbols_occurrences, num_segments=nr_symbols)
    counts = jax.ops.segment_sum(jnp.ones((encodings_of_symbols_occurrences.shape[0],), dtype=jnp.float32), symbols_indices_of_symbols_occurrences, num_segments=nr_symbols)
    symbols_occurrences_encodings = sums / jnp.maximum(counts, 1.0)[:, None]
    # use_identifier_encoding: concat + linear (bias=False)
    final_symbols_encoding = jnp.concatenate([symbols_identifiers_encodings, symbols_occurrences_encodings], axis=-1)
    final_symbols_encoding = final_symbols_encoding @ W_comb.T
    # activation (relu) then dropout (p=0.0 -> identity)
    final_symbols_encoding = jax.nn.relu(final_symbols_encoding)
    return final_symbols_encoding

if __name__ == "__main__":
    import jax
    _d = setup_inputs()
    print(jax.jit(kernel)(*tuple(_d.values())))

</pallas_src>

<mosaic_0001>
#map = affine_map<(d0, d1) -> (0, 0)>
#map1 = affine_map<(d0, d1) -> (0)>
module attributes {stable_mosaic.version = 14 : i64} {
  func.func @_sc_body(%arg0: i32, %arg1: i32, %arg2: memref<320000x128xf32, #tpu.memory_space<hbm>>, %arg3: memref<320000xi32, #tpu.memory_space<hbm>>, %arg4: memref<80x128xf32, #tpu.memory_space<hbm>>, %arg5: memref<10240xf32, #tpu.memory_space<hbm>>, %arg6: memref<20480x128xf32, #tpu.memory_space<hbm>>, %arg7: memref<32x10240xf32, #tpu.memory_space<hbm>>, %arg8: memref<80x128xf32, #tpu.memory_space<vmem>>, %arg9: memref<80xi32, #tpu.memory_space<vmem>>, %arg10: memref<80x128xf32, #tpu.memory_space<vmem>>, %arg11: memref<80xi32, #tpu.memory_space<vmem>>, %arg12: memref<10240xf32, #tpu.memory_space<vmem>>, %arg13: memref<10240x128xf32, #tpu.memory_space<vmem_shared>>, %arg14: memref<!tpu.dma_semaphore, #tpu.memory_space<semaphore_mem>>, %arg15: memref<!tpu.dma_semaphore, #tpu.memory_space<semaphore_mem>>, %arg16: memref<!tpu.dma_semaphore, #tpu.memory_space<semaphore_mem>>, %arg17: memref<!tpu.dma_semaphore, #tpu.memory_space<semaphore_mem>>, %arg18: memref<!tpu.dma_semaphore, #tpu.memory_space<semaphore_mem>>, %arg19: memref<!tpu.dma_semaphore, #tpu.memory_space<semaphore_mem>>) attributes {dimension_semantics = [#tpu.dimension_semantics<core_parallel>, #tpu.dimension_semantics<subcore_parallel>], iteration_bounds = array<i64: 2, 16>, scalar_prefetch = 0 : i64, scratch_operands = 12 : i64, tpu.core_type = #tpu.core_type<sc_vector_subcore>, window_params = [{transform_indices = #map}, {transform_indices = #map1}, {transform_indices = #map}, {transform_indices = #map1}, {transform_indices = #map}, {transform_indices = #map}]} {
    %mul3A = arith.constant 16 : i32
    %mul3A_0 = arith.muli %arg0, %mul3A : i32
    %add3A = arith.addi %mul3A_0, %arg1 : i32
    %mul3A_1 = arith.constant 640 : i32
    %mul3A_2 = arith.muli %arg1, %mul3A_1 : i32
    %mul3A_3 = arith.constant 10240 : i32
    %mul3A_4 = arith.muli %arg0, %mul3A_3 : i32
    %add3A_5 = arith.addi %mul3A_4, %mul3A_2 : i32
    "tpu.region"() ({
      %run_scoped3A = tpu.sem_alloc : memref<!tpu.dma_semaphore, #tpu.memory_space<semaphore_mem>>
      tpu.enqueue_dma source(%arg4 : memref<80x128xf32, #tpu.memory_space<hbm>>) target(%arg8 : memref<80x128xf32, #tpu.memory_space<vmem>>) target_semaphore(%run_scoped3A : memref<!tpu.dma_semaphore, #tpu.memory_space<semaphore_mem>>)
      tpu.wait_dma2 semaphore(%run_scoped3A : memref<!tpu.dma_semaphore, #tpu.memory_space<semaphore_mem>>) src(%arg4 : memref<80x128xf32, #tpu.memory_space<hbm>>) dst(%arg8 : memref<80x128xf32, #tpu.memory_space<vmem>>)
      tpu.yield
    }) : () -> ()
    %scan3A = arith.constant 0 : i32
    %scan3A_6 = arith.constant 0 : i32
    %scan3A_7 = arith.constant 8 : i32
    %scan3A_8 = arith.addi %scan3A_6, %scan3A_7 : i32
    %scan3A_9 = arith.constant 1 : i32
    scf.for %scan3A_55 = %scan3A_6 to %scan3A_8 step %scan3A_9  : i32 {
      %mul3A_56 = arith.constant 80 : i32
      %mul3A_57 = arith.muli %scan3A_55, %mul3A_56 : i32
      %add3A_58 = arith.addi %mul3A_2, %mul3A_57 : i32
      "tpu.region"() ({
        %run_scoped3A = tpu.sem_alloc : memref<!tpu.dma_semaphore, #tpu.memory_space<semaphore_mem>>
        %dma_start3A_59 = arith.constant 0 : i32
        %dma_start3A_60 = tpu.memref_slice %arg13[%add3A_58, %dma_start3A_59] : memref<10240x128xf32, #tpu.memory_space<vmem_shared>> -> memref<80x128xf32, #tpu.memory_space<vmem_shared>>
        %dma_start3A_61 = arith.constant 0 : i32
        %dma_start3A_62 = tpu.memref_slice %arg13[%add3A_58, %dma_start3A_61] : memref<10240x128xf32, #tpu.memory_space<vmem_shared>> -> memref<80x128xf32, #tpu.memory_space<vmem_shared>>
        tpu.enqueue_dma source(%arg8 : memref<80x128xf32, #tpu.memory_space<vmem>>) target(%dma_start3A_62 : memref<80x128xf32, #tpu.memory_space<vmem_shared>>) target_semaphore(%run_scoped3A : memref<!tpu.dma_semaphore, #tpu.memory_space<semaphore_mem>>)
        %dma_wait3A_63 = arith.constant 0 : i32
        %dma_wait3A_64 = tpu.memref_slice %arg13[%add3A_58, %dma_wait3A_63] : memref<10240x128xf32, #tpu.memory_space<vmem_shared>> -> memref<80x128xf32, #tpu.memory_space<vmem_shared>>
        %dma_wait3A_65 = arith.constant 0 : i32
        %dma_wait3A_66 = tpu.memref_slice %arg13[%add3A_58, %dma_wait3A_65] : memref<10240x128xf32, #tpu.memory_space<vmem_shared>> -> memref<80x128xf32, #tpu.memory_space<vmem_shared>>
        tpu.wait_dma2 semaphore(%run_scoped3A : memref<!tpu.dma_semaphore, #tpu.memory_space<semaphore_mem>>) src(%arg8 : memref<80x128xf32, #tpu.memory_space<vmem>>) dst(%dma_wait3A_66 : memref<80x128xf32, #tpu.memory_space<vmem_shared>>)
        tpu.yield
      }) : () -> ()
    }
    %scan3A_10 = arith.constant 8 : i32
    "tpu.region"() ({
      %run_scoped3A = tpu.sem_alloc : memref<!tpu.dma_semaphore, #tpu.memory_space<semaphore_mem>>
      tpu.enqueue_dma source(%arg5 : memref<10240xf32, #tpu.memory_space<hbm>>) target(%arg12 : memref<10240xf32, #tpu.memory_space<vmem>>) target_semaphore(%run_scoped3A : memref<!tpu.dma_semaphore, #tpu.memory_space<semaphore_mem>>)
      tpu.wait_dma2 semaphore(%run_scoped3A : memref<!tpu.dma_semaphore, #tpu.memory_space<semaphore_mem>>) src(%arg5 : memref<10240xf32, #tpu.memory_space<hbm>>) dst(%arg12 : memref<10240xf32, #tpu.memory_space<vmem>>)
      tpu.yield
    }) : () -> ()
    %barrier3A = arith.constant 0 : index
    tpu.barrier barrier_id(%barrier3A)
    %mul3A_11 = arith.constant 10000 : i32
    %mul3A_12 = arith.muli %add3A, %mul3A_11 : i32
    %broadcast_in_dim3A = arith.constant 1.000000e+00 : f32
    %broadcast_in_dim3A_13 = vector.broadcast %broadcast_in_dim3A : f32 to vector<16xf32>
    %multiple_of3A = tpu.assume_multiple %mul3A_12, 8 : i32
    %dma_start3A = arith.constant 0 : i32
    %dma_start3A_14 = tpu.memref_slice %arg2[%multiple_of3A, %dma_start3A] : memref<320000x128xf32, #tpu.memory_space<hbm>> -> memref<80x128xf32, #tpu.memory_space<hbm>>
    %dma_start3A_15 = arith.constant 0 : i32
    %dma_start3A_16 = tpu.memref_slice %arg2[%multiple_of3A, %dma_start3A_15] : memref<320000x128xf32, #tpu.memory_space<hbm>> -> memref<80x128xf32, #tpu.memory_space<hbm>>
    tpu.enqueue_dma source(%dma_start3A_16 : memref<80x128xf32, #tpu.memory_space<hbm>>) target(%arg8 : memref<80x128xf32, #tpu.memory_space<vmem>>) target_semaphore(%arg14 : memref<!tpu.dma_semaphore, #tpu.memory_space<semaphore_mem>>)
    %dma_start3A_17 = tpu.memref_slice %arg3[%multiple_of3A] : memref<320000xi32, #tpu.memory_space<hbm>> -> memref<80xi32, #tpu.memory_space<hbm>>
    %dma_start3A_18 = tpu.memref_slice %arg3[%multiple_of3A] : memref<320000xi32, #tpu.memory_space<hbm>> -> memref<80xi32, #tpu.memory_space<hbm>>
    tpu.enqueue_dma source(%dma_start3A_18 : memref<80xi32, #tpu.memory_space<hbm>>) target(%arg9 : memref<80xi32, #tpu.memory_space<vmem>>) target_semaphore(%arg15 : memref<!tpu.dma_semaphore, #tpu.memory_space<semaphore_mem>>)
    %scan3A_19 = arith.constant 0 : i32
    %scan3A_20 = arith.constant 0 : i32
    %scan3A_21 = arith.constant 62 : i32
    %scan3A_22 = arith.addi %scan3A_20, %scan3A_21 : i32
    %scan3A_23 = arith.constant 1 : i32
    scf.for %scan3A_55 = %scan3A_20 to %scan3A_22 step %scan3A_23  : i32 {
      %mul3A_56 = arith.constant 2 : i32
      %mul3A_57 = arith.muli %mul3A_56, %scan3A_55 : i32
      %mul3A_58 = arith.constant 80 : i32
      %mul3A_59 = arith.muli %mul3A_57, %mul3A_58 : i32
      %add3A_60 = arith.addi %mul3A_12, %mul3A_59 : i32
      %multiple_of3A_61 = tpu.assume_multiple %add3A_60, 8 : i32
      %add3A_62 = arith.constant 1 : i32
      %add3A_63 = arith.addi %mul3A_57, %add3A_62 : i32
      %mul3A_64 = arith.constant 80 : i32
      %mul3A_65 = arith.muli %add3A_63, %mul3A_64 : i32
      %add3A_66 = arith.addi %mul3A_12, %mul3A_65 : i32
      %multiple_of3A_67 = tpu.assume_multiple %add3A_66, 8 : i32
      %add3A_68 = arith.constant 2 : i32
      %add3A_69 = arith.addi %mul3A_57, %add3A_68 : i32
      %min3A = arith.constant 124 : i32
      %min3A_70 = arith.minsi %add3A_69, %min3A : i32
      %mul3A_71 = arith.constant 80 : i32
      %mul3A_72 = arith.muli %min3A_70, %mul3A_71 : i32
      %add3A_73 = arith.addi %mul3A_12, %mul3A_72 : i32
      %multiple_of3A_74 = tpu.assume_multiple %add3A_73, 8 : i32
      %dma_start3A_75 = arith.constant 0 : i32
      %dma_start3A_76 = tpu.memref_slice %arg2[%multiple_of3A_67, %dma_start3A_75] : memref<320000x128xf32, #tpu.memory_space<hbm>> -> memref<80x128xf32, #tpu.memory_space<hbm>>
      %dma_start3A_77 = arith.constant 0 : i32
      %dma_start3A_78 = tpu.memref_slice %arg2[%multiple_of3A_67, %dma_start3A_77] : memref<320000x128xf32, #tpu.memory_space<hbm>> -> memref<80x128xf32, #tpu.memory_space<hbm>>
      tpu.enqueue_dma source(%dma_start3A_78 : memref<80x128xf32, #tpu.memory_space<hbm>>) target(%arg10 : memref<80x128xf32, #tpu.memory_space<vmem>>) target_semaphore(%arg16 : memref<!tpu.dma_semaphore, #tpu.memory_space<semaphore_mem>>)
      %dma_start3A_79 = tpu.memref_slice %arg3[%multiple_of3A_67] : memref<320000xi32, #tpu.memory_space<hbm>> -> memref<80xi32, #tpu.memory_space<hbm>>
      %dma_start3A_80 = tpu.memref_slice %arg3[%multiple_of3A_67] : memref<320000xi32, #tpu.memory_space<hbm>> -> memref<80xi32, #tpu.memory_space<hbm>>
      tpu.enqueue_dma source(%dma_start3A_80 : memref<80xi32, #tpu.memory_space<hbm>>) target(%arg11 : memref<80xi32, #tpu.memory_space<vmem>>) target_semaphore(%arg17 : memref<!tpu.dma_semaphore, #tpu.memory_space<semaphore_mem>>)
      %dma_wait3A_81 = arith.constant 0 : i32
      %dma_wait3A_82 = tpu.memref_slice %arg2[%multiple_of3A_61, %dma_wait3A_81] : memref<320000x128xf32, #tpu.memory_space<hbm>> -> memref<80x128xf32, #tpu.memory_space<hbm>>
      %dma_wait3A_83 = arith.constant 0 : i32
      %dma_wait3A_84 = tpu.memref_slice %arg2[%multiple_of3A_61, %dma_wait3A_83] : memref<320000x128xf32, #tpu.memory_space<hbm>> -> memref<80x128xf32, #tpu.memory_space<hbm>>
      tpu.wait_dma2 semaphore(%arg14 : memref<!tpu.dma_semaphore, #tpu.memory_space<semaphore_mem>>) src(%dma_wait3A_84 : memref<80x128xf32, #tpu.memory_space<hbm>>) dst(%arg8 : memref<80x128xf32, #tpu.memory_space<vmem>>)
      %dma_wait3A_85 = tpu.memref_slice %arg3[%multiple_of3A_61] : memref<320000xi32, #tpu.memory_space<hbm>> -> memref<80xi32, #tpu.memory_space<hbm>>
      %dma_wait3A_86 = tpu.memref_slice %arg3[%multiple_of3A_61] : memref<320000xi32, #tpu.memory_space<hbm>> -> memref<80xi32, #tpu.memory_space<hbm>>
      tpu.wait_dma2 semaphore(%arg15 : memref<!tpu.dma_semaphore, #tpu.memory_space<semaphore_mem>>) src(%dma_wait3A_86 : memref<80xi32, #tpu.memory_space<hbm>>) dst(%arg9 : memref<80xi32, #tpu.memory_space<vmem>>)
      %dma_start3A_87 = arith.constant 0 : i32
      %dma_start3A_88 = arith.constant 0 : i32
      %dma_start3A_89 = tpu.memref_slice %arg13[%dma_start3A_87, %dma_start3A_88] : memref<10240x128xf32, #tpu.memory_space<vmem_shared>> -> memref<10240x128xf32, #tpu.memory_space<vmem_shared>>
      tpu.enqueue_indirect_dma source(%arg8 : memref<80x128xf32, #tpu.memory_space<vmem>>) target(%dma_start3A_89 : memref<10240x128xf32, #tpu.memory_space<vmem_shared>>) offsets(%arg9 : memref<80xi32, #tpu.memory_space<vmem>>) semaphore(%arg18 : memref<!tpu.dma_semaphore, #tpu.memory_space<semaphore_mem>>) {add = true}
      %get3A_90 = arith.constant 0 : index
      %get3A_91 = tpu.vector_load %arg9[%get3A_90] {strides = array<i32>} : memref<80xi32, #tpu.memory_space<vmem>>, vector<16xi32>,
      tpu.vector_store_idx %arg12[%get3A_91], %broadcast_in_dim3A_13 {add = true} : memref<10240xf32, #tpu.memory_space<vmem>>[vector<16xi32>], vector<16xf32>,
      %get3A_92 = arith.constant 16 : index
      %get3A_93 = tpu.vector_load %arg9[%get3A_92] {strides = array<i32>} : memref<80xi32, #tpu.memory_space<vmem>>, vector<16xi32>,
      tpu.vector_store_idx %arg12[%get3A_93], %broadcast_in_dim3A_13 {add = true} : memref<10240xf32, #tpu.memory_space<vmem>>[vector<16xi32>], vector<16xf32>,
      %get3A_94 = arith.constant 32 : index
      %get3A_95 = tpu.vector_load %arg9[%get3A_94] {strides = array<i32>} : memref<80xi32, #tpu.memory_space<vmem>>, vector<16xi32>,
      tpu.vector_store_idx %arg12[%get3A_95], %broadcast_in_dim3A_13 {add = true} : memref<10240xf32, #tpu.memory_space<vmem>>[vector<16xi32>], vector<16xf32>,
      %get3A_96 = arith.constant 48 : index
      %get3A_97 = tpu.vector_load %arg9[%get3A_96] {strides = array<i32>} : memref<80xi32, #tpu.memory_space<vmem>>, vector<16xi32>,
      tpu.vector_store_idx %arg12[%get3A_97], %broadcast_in_dim3A_13 {add = true} : memref<10240xf32, #tpu.memory_space<vmem>>[vector<16xi32>], vector<16xf32>,
      %get3A_98 = arith.constant 64 : index
      %get3A_99 = tpu.vector_load %arg9[%get3A_98] {strides = array<i32>} : memref<80xi32, #tpu.memory_space<vmem>>, vector<16xi32>,
      tpu.vector_store_idx %arg12[%get3A_99], %broadcast_in_dim3A_13 {add = true} : memref<10240xf32, #tpu.memory_space<vmem>>[vector<16xi32>], vector<16xf32>,
      %dma_wait3A_100 = arith.constant 0 : i32
      %dma_wait3A_101 = arith.constant 0 : i32
      %dma_wait3A_102 = tpu.memref_slice %arg13[%dma_wait3A_100, %dma_wait3A_101] : memref<10240x128xf32, #tpu.memory_space<vmem_shared>> -> memref<10240x128xf32, #tpu.memory_space<vmem_shared>>
      tpu.wait_indirect_dma semaphore(%arg18 : memref<!tpu.dma_semaphore, #tpu.memory_space<semaphore_mem>>) src(%arg8 : memref<80x128xf32, #tpu.memory_space<vmem>>) dst(%dma_wait3A_102 : memref<10240x128xf32, #tpu.memory_space<vmem_shared>>)
      %dma_start3A_103 = arith.constant 0 : i32
      %dma_start3A_104 = tpu.memref_slice %arg2[%multiple_of3A_74, %dma_start3A_103] : memref<320000x128xf32, #tpu.memory_space<hbm>> -> memref<80x128xf32, #tpu.memory_space<hbm>>
      %dma_start3A_105 = arith.constant 0 : i32
      %dma_start3A_106 = tpu.memref_slice %arg2[%multiple_of3A_74, %dma_start3A_105] : memref<320000x128xf32, #tpu.memory_space<hbm>> -> memref<80x128xf32, #tpu.memory_space<hbm>>
      tpu.enqueue_dma source(%dma_start3A_106 : memref<80x128xf32, #tpu.memory_space<hbm>>) target(%arg8 : memref<80x128xf32, #tpu.memory_space<vmem>>) target_semaphore(%arg14 : memref<!tpu.dma_semaphore, #tpu.memory_space<semaphore_mem>>)
      %dma_start3A_107 = tpu.memref_slice %arg3[%multiple_of3A_74] : memref<320000xi32, #tpu.memory_space<hbm>> -> memref<80xi32, #tpu.memory_space<hbm>>
      %dma_start3A_108 = tpu.memref_slice %arg3[%multiple_of3A_74] : memref<320000xi32, #tpu.memory_space<hbm>> -> memref<80xi32, #tpu.memory_space<hbm>>
      tpu.enqueue_dma source(%dma_start3A_108 : memref<80xi32, #tpu.memory_space<hbm>>) target(%arg9 : memref<80xi32, #tpu.memory_space<vmem>>) target_semaphore(%arg15 : memref<!tpu.dma_semaphore, #tpu.memory_space<semaphore_mem>>)
      %dma_wait3A_109 = arith.constant 0 : i32
      %dma_wait3A_110 = tpu.memref_slice %arg2[%multiple_of3A_67, %dma_wait3A_109] : memref<320000x128xf32, #tpu.memory_space<hbm>> -> memref<80x128xf32, #tpu.memory_space<hbm>>
      %dma_wait3A_111 = arith.constant 0 : i32
      %dma_wait3A_112 = tpu.memref_slice %arg2[%multiple_of3A_67, %dma_wait3A_111] : memref<320000x128xf32, #tpu.memory_space<hbm>> -> memref<80x128xf32, #tpu.memory_space<hbm>>
      tpu.wait_dma2 semaphore(%arg16 : memref<!tpu.dma_semaphore, #tpu.memory_space<semaphore_mem>>) src(%dma_wait3A_112 : memref<80x128xf32, #tpu.memory_space<hbm>>) dst(%arg10 : memref<80x128xf32, #tpu.memory_space<vmem>>)
      %dma_wait3A_113 = tpu.memref_slice %arg3[%multiple_of3A_67] : memref<320000xi32, #tpu.memory_space<hbm>> -> memref<80xi32, #tpu.memory_space<hbm>>
      %dma_wait3A_114 = tpu.memref_slice %arg3[%multiple_of3A_67] : memref<320000xi32, #tpu.memory_space<hbm>> -> memref<80xi32, #tpu.memory_space<hbm>>
      tpu.wait_dma2 semaphore(%arg17 : memref<!tpu.dma_semaphore, #tpu.memory_space<semaphore_mem>>) src(%dma_wait3A_114 : memref<80xi32, #tpu.memory_space<hbm>>) dst(%arg11 : memref<80xi32, #tpu.memory_space<vmem>>)
      %dma_start3A_115 = arith.constant 0 : i32
      %dma_start3A_116 = arith.constant 0 : i32
      %dma_start3A_117 = tpu.memref_slice %arg13[%dma_start3A_115, %dma_start3A_116] : memref<10240x128xf32, #tpu.memory_space<vmem_shared>> -> memref<10240x128xf32, #tpu.memory_space<vmem_shared>>
      tpu.enqueue_indirect_dma source(%arg10 : memref<80x128xf32, #tpu.memory_space<vmem>>) target(%dma_start3A_117 : memref<10240x128xf32, #tpu.memory_space<vmem_shared>>) offsets(%arg11 : memref<80xi32, #tpu.memory_space<vmem>>) semaphore(%arg19 : memref<!tpu.dma_semaphore, #tpu.memory_space<semaphore_mem>>) {add = true}
      %get3A_118 = arith.constant 0 : index
      %get3A_119 = tpu.vector_load %arg11[%get3A_118] {strides = array<i32>} : memref<80xi32, #tpu.memory_space<vmem>>, vector<16xi32>,
      tpu.vector_store_idx %arg12[%get3A_119], %broadcast_in_dim3A_13 {add = true} : memref<10240xf32, #tpu.memory_space<vmem>>[vector<16xi32>], vector<16xf32>,
      %get3A_120 = arith.constant 16 : index
      %get3A_121 = tpu.vector_load %arg11[%get3A_120] {strides = array<i32>} : memref<80xi32, #tpu.memory_space<vmem>>, vector<16xi32>,
      tpu.vector_store_idx %arg12[%get3A_121], %broadcast_in_dim3A_13 {add = true} : memref<10240xf32, #tpu.memory_space<vmem>>[vector<16xi32>], vector<16xf32>,
      %get3A_122 = arith.constant 32 : index
      %get3A_123 = tpu.vector_load %arg11[%get3A_122] {strides = array<i32>} : memref<80xi32, #tpu.memory_space<vmem>>, vector<16xi32>,
      tpu.vector_store_idx %arg12[%get3A_123], %broadcast_in_dim3A_13 {add = true} : memref<10240xf32, #tpu.memory_space<vmem>>[vector<16xi32>], vector<16xf32>,
      %get3A_124 = arith.constant 48 : index
      %get3A_125 = tpu.vector_load %arg11[%get3A_124] {strides = array<i32>} : memref<80xi32, #tpu.memory_space<vmem>>, vector<16xi32>,
      tpu.vector_store_idx %arg12[%get3A_125], %broadcast_in_dim3A_13 {add = true} : memref<10240xf32, #tpu.memory_space<vmem>>[vector<16xi32>], vector<16xf32>,
      %get3A_126 = arith.constant 64 : index
      %get3A_127 = tpu.vector_load %arg11[%get3A_126] {strides = array<i32>} : memref<80xi32, #tpu.memory_space<vmem>>, vector<16xi32>,
      tpu.vector_store_idx %arg12[%get3A_127], %broadcast_in_dim3A_13 {add = true} : memref<10240xf32, #tpu.memory_space<vmem>>[vector<16xi32>], vector<16xf32>,
      %dma_wait3A_128 = arith.constant 0 : i32
      %dma_wait3A_129 = arith.constant 0 : i32
      %dma_wait3A_130 = tpu.memref_slice %arg13[%dma_wait3A_128, %dma_wait3A_129] : memref<10240x128xf32, #tpu.memory_space<vmem_shared>> -> memref<10240x128xf32, #tpu.memory_space<vmem_shared>>
      tpu.wait_indirect_dma semaphore(%arg19 : memref<!tpu.dma_semaphore, #tpu.memory_space<semaphore_mem>>) src(%arg10 : memref<80x128xf32, #tpu.memory_space<vmem>>) dst(%dma_wait3A_130 : memref<10240x128xf32, #tpu.memory_space<vmem_shared>>)
    }
    %scan3A_24 = arith.constant 62 : i32
    %add3A_25 = arith.constant 9920 : i32
    %add3A_26 = arith.addi %mul3A_12, %add3A_25 : i32
    %multiple_of3A_27 = tpu.assume_multiple %add3A_26, 8 : i32
    %dma_wait3A = arith.constant 0 : i32
    %dma_wait3A_28 = tpu.memref_slice %arg2[%multiple_of3A_27, %dma_wait3A] : memref<320000x128xf32, #tpu.memory_space<hbm>> -> memref<80x128xf32, #tpu.memory_space<hbm>>
    %dma_wait3A_29 = arith.constant 0 : i32
    %dma_wait3A_30 = tpu.memref_slice %arg2[%multiple_of3A_27, %dma_wait3A_29] : memref<320000x128xf32, #tpu.memory_space<hbm>> -> memref<80x128xf32, #tpu.memory_space<hbm>>
    tpu.wait_dma2 semaphore(%arg14 : memref<!tpu.dma_semaphore, #tpu.memory_space<semaphore_mem>>) src(%dma_wait3A_30 : memref<80x128xf32, #tpu.memory_space<hbm>>) dst(%arg8 : memref<80x128xf32, #tpu.memory_space<vmem>>)
    %dma_wait3A_31 = tpu.memref_slice %arg3[%multiple_of3A_27] : memref<320000xi32, #tpu.memory_space<hbm>> -> memref<80xi32, #tpu.memory_space<hbm>>
    %dma_wait3A_32 = tpu.memref_slice %arg3[%multiple_of3A_27] : memref<320000xi32, #tpu.memory_space<hbm>> -> memref<80xi32, #tpu.memory_space<hbm>>
    tpu.wait_dma2 semaphore(%arg15 : memref<!tpu.dma_semaphore, #tpu.memory_space<semaphore_mem>>) src(%dma_wait3A_32 : memref<80xi32, #tpu.memory_space<hbm>>) dst(%arg9 : memref<80xi32, #tpu.memory_space<vmem>>)
    %dma_start3A_33 = arith.constant 0 : i32
    %dma_start3A_34 = arith.constant 0 : i32
    %dma_start3A_35 = tpu.memref_slice %arg13[%dma_start3A_33, %dma_start3A_34] : memref<10240x128xf32, #tpu.memory_space<vmem_shared>> -> memref<10240x128xf32, #tpu.memory_space<vmem_shared>>
    tpu.enqueue_indirect_dma source(%arg8 : memref<80x128xf32, #tpu.memory_space<vmem>>) target(%dma_start3A_35 : memref<10240x128xf32, #tpu.memory_space<vmem_shared>>) offsets(%arg9 : memref<80xi32, #tpu.memory_space<vmem>>) semaphore(%arg18 : memref<!tpu.dma_semaphore, #tpu.memory_space<semaphore_mem>>) {add = true}
    %get3A = arith.constant 0 : index
    %get3A_36 = tpu.vector_load %arg9[%get3A] {strides = array<i32>} : memref<80xi32, #tpu.memory_space<vmem>>, vector<16xi32>,
    tpu.vector_store_idx %arg12[%get3A_36], %broadcast_in_dim3A_13 {add = true} : memref<10240xf32, #tpu.memory_space<vmem>>[vector<16xi32>], vector<16xf32>,
    %get3A_37 = arith.constant 16 : index
    %get3A_38 = tpu.vector_load %arg9[%get3A_37] {strides = array<i32>} : memref<80xi32, #tpu.memory_space<vmem>>, vector<16xi32>,
    tpu.vector_store_idx %arg12[%get3A_38], %broadcast_in_dim3A_13 {add = true} : memref<10240xf32, #tpu.memory_space<vmem>>[vector<16xi32>], vector<16xf32>,
    %get3A_39 = arith.constant 32 : index
    %get3A_40 = tpu.vector_load %arg9[%get3A_39] {strides = array<i32>} : memref<80xi32, #tpu.memory_space<vmem>>, vector<16xi32>,
    tpu.vector_store_idx %arg12[%get3A_40], %broadcast_in_dim3A_13 {add = true} : memref<10240xf32, #tpu.memory_space<vmem>>[vector<16xi32>], vector<16xf32>,
    %get3A_41 = arith.constant 48 : index
    %get3A_42 = tpu.vector_load %arg9[%get3A_41] {strides = array<i32>} : memref<80xi32, #tpu.memory_space<vmem>>, vector<16xi32>,
    tpu.vector_store_idx %arg12[%get3A_42], %broadcast_in_dim3A_13 {add = true} : memref<10240xf32, #tpu.memory_space<vmem>>[vector<16xi32>], vector<16xf32>,
    %get3A_43 = arith.constant 64 : index
    %get3A_44 = tpu.vector_load %arg9[%get3A_43] {strides = array<i32>} : memref<80xi32, #tpu.memory_space<vmem>>, vector<16xi32>,
    tpu.vector_store_idx %arg12[%get3A_44], %broadcast_in_dim3A_13 {add = true} : memref<10240xf32, #tpu.memory_space<vmem>>[vector<16xi32>], vector<16xf32>,
    %dma_wait3A_45 = arith.constant 0 : i32
    %dma_wait3A_46 = arith.constant 0 : i32
    %dma_wait3A_47 = tpu.memref_slice %arg13[%dma_wait3A_45, %dma_wait3A_46] : memref<10240x128xf32, #tpu.memory_space<vmem_shared>> -> memref<10240x128xf32, #tpu.memory_space<vmem_shared>>
    tpu.wait_indirect_dma semaphore(%arg18 : memref<!tpu.dma_semaphore, #tpu.memory_space<semaphore_mem>>) src(%arg8 : memref<80x128xf32, #tpu.memory_space<vmem>>) dst(%dma_wait3A_47 : memref<10240x128xf32, #tpu.memory_space<vmem_shared>>)
    %barrier3A_48 = arith.constant 0 : index
    tpu.barrier barrier_id(%barrier3A_48)
    %scan3A_49 = arith.constant 0 : i32
    %scan3A_50 = arith.constant 0 : i32
    %scan3A_51 = arith.constant 8 : i32
    %scan3A_52 = arith.addi %scan3A_50, %scan3A_51 : i32
    %scan3A_53 = arith.constant 1 : i32
    scf.for %scan3A_55 = %scan3A_50 to %scan3A_52 step %scan3A_53  : i32 {
      %mul3A_56 = arith.constant 80 : i32
      %mul3A_57 = arith.muli %scan3A_55, %mul3A_56 : i32
      %add3A_58 = arith.addi %mul3A_2, %mul3A_57 : i32
      "tpu.region"() ({
        %run_scoped3A = tpu.sem_alloc : memref<!tpu.dma_semaphore, #tpu.memory_space<semaphore_mem>>
        %dma_start3A_62 = arith.constant 0 : i32
        %dma_start3A_63 = tpu.memref_slice %arg13[%add3A_58, %dma_start3A_62] : memref<10240x128xf32, #tpu.memory_space<vmem_shared>> -> memref<80x128xf32, #tpu.memory_space<vmem_shared>>
        %dma_start3A_64 = arith.constant 0 : i32
        %dma_start3A_65 = tpu.memref_slice %arg13[%add3A_58, %dma_start3A_64] : memref<10240x128xf32, #tpu.memory_space<vmem_shared>> -> memref<80x128xf32, #tpu.memory_space<vmem_shared>>
        tpu.enqueue_dma source(%dma_start3A_65 : memref<80x128xf32, #tpu.memory_space<vmem_shared>>) target(%arg8 : memref<80x128xf32, #tpu.memory_space<vmem>>) target_semaphore(%run_scoped3A : memref<!tpu.dma_semaphore, #tpu.memory_space<semaphore_mem>>)
        %dma_wait3A_66 = arith.constant 0 : i32
        %dma_wait3A_67 = tpu.memref_slice %arg13[%add3A_58, %dma_wait3A_66] : memref<10240x128xf32, #tpu.memory_space<vmem_shared>> -> memref<80x128xf32, #tpu.memory_space<vmem_shared>>
        %dma_wait3A_68 = arith.constant 0 : i32
        %dma_wait3A_69 = tpu.memref_slice %arg13[%add3A_58, %dma_wait3A_68] : memref<10240x128xf32, #tpu.memory_space<vmem_shared>> -> memref<80x128xf32, #tpu.memory_space<vmem_shared>>
        tpu.wait_dma2 semaphore(%run_scoped3A : memref<!tpu.dma_semaphore, #tpu.memory_space<semaphore_mem>>) src(%dma_wait3A_69 : memref<80x128xf32, #tpu.memory_space<vmem_shared>>) dst(%arg8 : memref<80x128xf32, #tpu.memory_space<vmem>>)
        tpu.yield
      }) : () -> ()
      %mul3A_59 = arith.constant 80 : i32
      %mul3A_60 = arith.muli %scan3A_55, %mul3A_59 : i32
      %add3A_61 = arith.addi %add3A_5, %mul3A_60 : i32
      "tpu.region"() ({
        %run_scoped3A = tpu.sem_alloc : memref<!tpu.dma_semaphore, #tpu.memory_space<semaphore_mem>>
        %dma_start3A_62 = arith.constant 0 : i32
        %dma_start3A_63 = tpu.memref_slice %arg6[%add3A_61, %dma_start3A_62] : memref<20480x128xf32, #tpu.memory_space<hbm>> -> memref<80x128xf32, #tpu.memory_space<hbm>>
        %dma_start3A_64 = arith.constant 0 : i32
        %dma_start3A_65 = tpu.memref_slice %arg6[%add3A_61, %dma_start3A_64] : memref<20480x128xf32, #tpu.memory_space<hbm>> -> memref<80x128xf32, #tpu.memory_space<hbm>>
        tpu.enqueue_dma source(%arg8 : memref<80x128xf32, #tpu.memory_space<vmem>>) target(%dma_start3A_65 : memref<80x128xf32, #tpu.memory_space<hbm>>) target_semaphore(%run_scoped3A : memref<!tpu.dma_semaphore, #tpu.memory_space<semaphore_mem>>)
        %dma_wait3A_66 = arith.constant 0 : i32
        %dma_wait3A_67 = tpu.memref_slice %arg6[%add3A_61, %dma_wait3A_66] : memref<20480x128xf32, #tpu.memory_space<hbm>> -> memref<80x128xf32, #tpu.memory_space<hbm>>
        %dma_wait3A_68 = arith.constant 0 : i32
        %dma_wait3A_69 = tpu.memref_slice %arg6[%add3A_61, %dma_wait3A_68] : memref<20480x128xf32, #tpu.memory_space<hbm>> -> memref<80x128xf32, #tpu.memory_space<hbm>>
        tpu.wait_dma2 semaphore(%run_scoped3A : memref<!tpu.dma_semaphore, #tpu.memory_space<semaphore_mem>>) src(%arg8 : memref<80x128xf32, #tpu.memory_space<vmem>>) dst(%dma_wait3A_69 : memref<80x128xf32, #tpu.memory_space<hbm>>)
        tpu.yield
      }) : () -> ()
    }
    %scan3A_54 = arith.constant 8 : i32
    "tpu.region"() ({
      %run_scoped3A = tpu.sem_alloc : memref<!tpu.dma_semaphore, #tpu.memory_space<semaphore_mem>>
      %dma_start3A_55 = arith.constant 0 : i32
      %dma_start3A_56 = tpu.memref_slice %arg7[%add3A, %dma_start3A_55] : memref<32x10240xf32, #tpu.memory_space<hbm>> -> memref<1x10240xf32, #tpu.memory_space<hbm>>
      %dma_start3A_57 = tpu.memref_squeeze %dma_start3A_56 : memref<1x10240xf32, #tpu.memory_space<hbm>> -> memref<10240xf32, #tpu.memory_space<hbm>>
      %dma_start3A_58 = arith.constant 0 : i32
      %dma_start3A_59 = tpu.memref_slice %arg7[%add3A, %dma_start3A_58] : memref<32x10240xf32, #tpu.memory_space<hbm>> -> memref<1x10240xf32, #tpu.memory_space<hbm>>
      %dma_start3A_60 = tpu.memref_squeeze %dma_start3A_59 : memref<1x10240xf32, #tpu.memory_space<hbm>> -> memref<10240xf32, #tpu.memory_space<hbm>>
      tpu.enqueue_dma source(%arg12 : memref<10240xf32, #tpu.memory_space<vmem>>) target(%dma_start3A_60 : memref<10240xf32, #tpu.memory_space<hbm>>) target_semaphore(%run_scoped3A : memref<!tpu.dma_semaphore, #tpu.memory_space<semaphore_mem>>)
      %dma_wait3A_61 = arith.constant 0 : i32
      %dma_wait3A_62 = tpu.memref_slice %arg7[%add3A, %dma_wait3A_61] : memref<32x10240xf32, #tpu.memory_space<hbm>> -> memref<1x10240xf32, #tpu.memory_space<hbm>>
      %dma_wait3A_63 = tpu.memref_squeeze %dma_wait3A_62 : memref<1x10240xf32, #tpu.memory_space<hbm>> -> memref<10240xf32, #tpu.memory_space<hbm>>
      %dma_wait3A_64 = arith.constant 0 : i32
      %dma_wait3A_65 = tpu.memref_slice %arg7[%add3A, %dma_wait3A_64] : memref<32x10240xf32, #tpu.memory_space<hbm>> -> memref<1x10240xf32, #tpu.memory_space<hbm>>
      %dma_wait3A_66 = tpu.memref_squeeze %dma_wait3A_65 : memref<1x10240xf32, #tpu.memory_space<hbm>> -> memref<10240xf32, #tpu.memory_space<hbm>>
      tpu.wait_dma2 semaphore(%run_scoped3A : memref<!tpu.dma_semaphore, #tpu.memory_space<semaphore_mem>>) src(%arg12 : memref<10240xf32, #tpu.memory_space<vmem>>) dst(%dma_wait3A_66 : memref<10240xf32, #tpu.memory_space<hbm>>)
      tpu.yield
    }) : () -> ()
    return
  }
}

</mosaic_0001>

<sc_bundles>
// kernel: _sc_stage.3.cloned.1.call-start
scs
__scs_entry_jumppad:
0x0: {  	(pc) =	sbr.rel $0x88, $3  }
0x1: {  	(tag) =	ssettag $0x0;
	lr =	simm.s32 $0x1  }
0x2: {  	[smem:$0x3F9D] =	sst lr;
	_ =	strace $0xD0000000  }
0x3: {  	_ = 	snop  }
0x4: {  	_ = 	snop  }
0x5: {  	_ = 	snop  }
0x6: {  	_ = 	snop  }
0x7: {  	_ = 	snop  }
__scs_overlays_trampoline_lowered:
0x8: {  	[smem:$0x3FAC] =	sst s0  }
0x9: {  	[smem:$0x3FAD] =	sst s1  }
0xa: {  	[smem:$0x3FAE] =	sst s2  }
0xb: {  	[smem:$0x3FAF] =	sst s3  }
0xc: {  	[smem:$0x3FB0] =	sst s4  }
0xd: {  	[smem:$0x3FB1] =	sst s5  }
0xe: {  	[smem:$0x3FB2] =	sst s6  }
0xf: {  	[smem:$0x3FB3] =	sst s7  }
0x10: {  	[smem:$0x3FB4] =	sst s8  }
0x11: {  	[smem:$0x3FB5] =	sst s9;
	s0 =	simm.s32 @!p0 $0x0  }
0x12: {  	s1 =	sld [smem:$0x3F9B];
	s0 =	simm.s32 @p0 $0x1  }
0x13: {  	[smem:$0x3FB6] =	sst s0;
	s0 =	simm.s32 @!p1 $0x0  }
0x14: {  	s2 =	sld [smem:$0x3F9A];
	s0 =	simm.s32 @p1 $0x1  }
0x15: {  	[smem:$0x3FB7] =	sst s0;
	s0 =	simm.s32 @!p2 $0x0  }
0x16: {  	s3 =	sld [smem:$0x3FDB];
	s0 =	simm.s32 @p2 $0x1  }
0x17: {  	s4 =	simm.s32 $0x1BF5;
	[smem:$0x3FB9] =	sst s0  }
0x18: {  	s0 =	sld [smem:$0x3F9C];
	_ =	swait.ge [sflag:s4], $0x0  }
0x19: {  	s7 =	sld [smem:$0x3F9D]  }
0x1a: {  	s8 =	sadd.s32 $0xFFFFE003, lr  }
0x1b: {  	s9 =	sadd.s32 $0xFFFFFEF7, lr;
	s5 =	simm.s32 $0xFFFFFFFF;
	p2 =	slt.u32 s8, $0xFFFFF086  }
0x1c: {  	p1 =	slt.u32 s9, $0xF7A;
	s5 =	simm.s32 @!p2 $0x0  }
0x1d: {  	s5 =	simm.s32 @p1 $0x1;
	p0 =	seq.s32 s7, s2  }
0x1e: {  	s7 =	smul.u32 @!p0 $0xF7A, s2;
	p2 =	seq.s32 @!p0 s5, $0x0  }
0x1f: {  	s9 =	smul.u32 $0xF7A, s1;
	s8 =	simm.s32 @!p0 $0x1BF5;
	p2 =	por !p2, p0  }
0x20: {  	[sflag:s8] =	ssyncset.s32 @!p0 $0xFFFFF086;
	s6 =	sadd.s32 @!p0 s3, s7;
	s7 =	simm.s32 @!p0 $0x108  }
0x21: {  	s3 =	sadd.s32 s3, s9;
	s6 =	sadd.s32 @!p0 $0x88, s6;
	s7 =	simm.s32 @p2 $0x1082  }
0x22: {  	[simem:s7], [sflag:s8] =	dma.local @!p0 [hbm:s6], $0xF7A  }
0x23: {  	s9 =	sor.u32 $0xD0000000, s2;
	s6 =	simm.s32 $0x108;
	_ =	swait.ge @!p0 [sflag:s8], $0x0  }
0x24: {  	s3 =	sadd.s32 $0x88, s3;
	s6 =	simm.s32 @!p1 $0x1082;
	[sflag:s4] =	ssyncset.s32 $0xFFFFF086  }
0x25: {  	[simem:s6], [sflag:s4] =	dma.local [hbm:s3], $0xF7A  }
0x26: {  	[smem:$0x3F9D] =	sst s1;
	(tag) =	ssettag s2;
	_ =	strace s9  }
0x27: {  	s1 =	sld [smem:$0x3FAD]  }
0x28: {  	s2 =	sld [smem:$0x3FAE]  }
0x29: {  	s4 =	sld [smem:$0x3FB0]  }
0x2a: {  	p0 =	seq.s32 s5, $0x0;
	s5 =	sld [smem:$0x3FB1]  }
0x2b: {  	s6 =	sld [smem:$0x3FB2]  }
0x2c: {  	s7 =	sld [smem:$0x3FB3]  }
0x2d: {  	s3 =	simm.s32 $0x108;
	s8 =	sld [smem:$0x3FB4]  }
0x2e: {  	s3 =	simm.s32 @!p0 $0x1082;
	s9 =	sld [smem:$0x3FB5]  }
0x2f: {  	lr =	sadd.s32 s0, s3;
	s0 =	sld [smem:$0x3FAC]  }
0x30: {  	s3 =	sld [smem:$0x3FAF]  }
0x31: {  	[smem:$0x3FB8] =	sst s10  }
0x32: {  	s10 =	sld [smem:$0x3FB6];
	_ =	sdelay $0x3  }
0x33: {  	p0 =	seq.s32 s10, $0x1;
	s10 =	sld [smem:$0x3FB8];
	_ =	sdelay $0x3  }
0x34: {  	[smem:$0x3FB8] =	sst s10  }
0x35: {  	s10 =	sld [smem:$0x3FB7];
	_ =	sdelay $0x3  }
0x36: {  	p1 =	seq.s32 s10, $0x1;
	s10 =	sld [smem:$0x3FB8];
	_ =	sdelay $0x3  }
0x37: {  	[smem:$0x3FB8] =	sst s10  }
0x38: {  	s10 =	sld [smem:$0x3FB9]  }
0x39: {  	_ = 	snop;
	(pc) =	sbr.ind lr, $3  }
0x3a: {  	_ = 	snop  }
0x3b: {  	_ = 	snop  }
0x3c: {  	p2 =	seq.s32 s10, $0x1;
	s10 =	sld [smem:$0x3FB8]  }
0x3d: {  	_ =	shalt  }
0x3e: {  	_ =	shalt  }
0x3f: {  	_ =	shalt  }
0x40: {  	_ =	shalt  }
0x41: {  	_ =	shalt  }
0x42: {  	_ =	shalt  }
0x43: {  	_ =	shalt  }
0x44: {  	_ =	shalt  }
0x45: {  	_ =	shalt  }
0x46: {  	_ =	shalt  }
0x47: {  	_ =	shalt  }
0x48: {  	_ =	shalt  }
0x49: {  	_ =	shalt  }
0x4a: {  	_ =	shalt  }
0x4b: {  	_ =	shalt  }
0x4c: {  	_ =	shalt  }
0x4d: {  	_ =	shalt  }
0x4e: {  	_ =	shalt  }
0x4f: {  	_ =	shalt  }
0x50: {  	_ =	shalt  }
0x51: {  	_ =	shalt  }
0x52: {  	_ =	shalt  }
0x53: {  	_ =	shalt  }
0x54: {  	_ =	shalt  }
0x55: {  	_ =	shalt  }
0x56: {  	_ =	shalt  }
0x57: {  	_ =	shalt  }
0x58: {  	_ =	shalt  }
0x59: {  	_ =	shalt  }
0x5a: {  	_ =	shalt  }
0x5b: {  	_ =	shalt  }
0x5c: {  	_ =	shalt  }
0x5d: {  	_ =	shalt  }
0x5e: {  	_ =	shalt  }
0x5f: {  	_ =	shalt  }
0x60: {  	_ =	shalt  }
0x61: {  	_ =	shalt  }
0x62: {  	_ =	shalt  }
0x63: {  	_ =	shalt  }
0x64: {  	_ =	shalt  }
0x65: {  	_ =	shalt  }
0x66: {  	_ =	shalt  }
0x67: {  	_ =	shalt  }
0x68: {  	_ =	shalt  }
0x69: {  	_ =	shalt  }
0x6a: {  	_ =	shalt  }
0x6b: {  	_ =	shalt  }
0x6c: {  	_ =	shalt  }
0x6d: {  	_ =	shalt  }
0x6e: {  	_ =	shalt  }
0x6f: {  	_ =	shalt  }
0x70: {  	_ =	shalt  }
0x71: {  	_ =	shalt  }
0x72: {  	_ =	shalt  }
0x73: {  	_ =	shalt  }
0x74: {  	_ =	shalt  }
0x75: {  	_ =	shalt  }
0x76: {  	_ =	shalt  }
0x77: {  	_ =	shalt  }
0x78: {  	_ =	shalt  }
0x79: {  	_ =	shalt  }
0x7a: {  	_ =	shalt  }
0x7b: {  	_ =	shalt  }
0x7c: {  	_ =	shalt  }
0x7d: {  	_ =	shalt  }
0x7e: {  	_ =	shalt  }
0x7f: {  	_ =	shalt  }
0x80: {  	_ =	shalt  }
0x81: {  	_ =	shalt  }
0x82: {  	_ =	shalt  }
0x83: {  	_ =	shalt  }
0x84: {  	_ =	shalt  }
0x85: {  	_ =	shalt  }
0x86: {  	_ =	shalt  }
0x87: {  	_ =	shalt  }
.Lfunc_end0:
.L_simem_size_0:
called_computation_lowered:
.L_overlay_start_0:
0x88: {  	s2 =	sld [smem:$0x3FD9]  }
0x89: {  	s3 =	sld [smem:$0x3FFE];
	_ =	sdelay $0x1  }
0x8a: {  	s1 =	srdreg.scid  }
0x8b: {  	s0 =	sand.u32 $0x1, s1  }
0x8c: {  	s15 =	sshll.u32 s0, $0xA;
	s2 =	sadd.s32 s3, s2  }
0x8d: {  	s2 =	sadd.s32 s2, s15  }
0x8e: {  	[smem:$0x3FC4] =	sst s2  }
0x8f: {  	_ = 	snop  }
0x90: {  	s2 =	sld [smem:$0x3FC9]  }
0x91: {  	s16 =	sld [smem:$0x3FD0]  }
0x92: {  	s4 =	sld [smem:$0x3FC8]  }
0x93: {  	s5 =	sld [smem:$0x3FC7]  }
0x94: {  	s7 =	simm.s32 $0xA;
	s8 =	simm.s32 $0x10;
	s6 =	sld [smem:$0x3FC6]  }
0x95: {  	[smem:s8], [sflag:s7] =	dma.local [hbm:s16], $0x1  }
0x96: {  	_ =	swait.eq [sflag:s7], $0x1  }
0x97: {  	[sflag:s7] =	ssyncset.done $0x0  }
0x98: {  	s17 =	sld [smem:$0x10];
	[sflag:s7] =	ssyncadd.s32 $0xFFFFFFFF  }
0x99: {  	s18 =	sld [smem:$0x11];
	(tm) =	ssettm $0x1  }
0x9a: {  	s19 =	sld [smem:$0x3FFB];
	_ =	sdelay $0x3  }
0x9b: {  	_ =	strace s19  }
0x9c: {  	s8 =	sld [smem:$0x3FFC];
	_ =	sdelay $0x3  }
0x9d: {  	_ =	strace s8  }
0x9e: {  	s8 =	sld [smem:$0x3FFD];
	_ =	sdelay $0x3  }
0x9f: {  	_ =	strace s8  }
0xa0: {  	_ =	strace $0x8FFFFFFF  }
0xa1: {  	s20 =	sld [smem:$0x3FDB];
	_ =	sdelay $0x1  }
0xa2: {  	s9 =	simm.s32 $_scs_section_size  }
0xa3: {  	s10 =	simm.s32 $_size__tile_overlayer_lowered;
	s11 =	simm.s32 $_tile_overlayer_lowered  }
0xa4: {  	s23 =	simm.s32 $0x1BFF;
	s22 =	sshll.u32 s11, $0x1;
	s8 =	sadd.s32 s9, s20  }
0xa5: {  	s12 =	simm.s32 $0x0;
	s21 =	sshll.u32 s10, $0x1;
	s10 =	sadd.s32 s22, s8  }
0xa6: {  	[timem:s12], [sflag:s23] =	dma.local [hbm:s10], s21  }
0xa7: {  	_ =	swait.ge [sflag:s23], s21  }
0xa8: {  	s9 =	ssub.s32 $0x0, s21;
	[sflag:s23] =	ssyncset.done $0x0  }
0xa9: {  	[sflag:s23] =	ssyncadd.s32 s9;
	_ =	sdelay $0x1  }
0xaa: {  	s24 =	simm.s32 $0x1B8B  }
0xab: {  	_ =	swait.ge [sflag:s24], $0x1  }
0xac: {  	[sflag:s24] =	ssyncset.done $0x0  }
0xad: {  	s25 =	simm.s32 $0x1B8E;
	[sflag:s24] =	ssyncadd.s32 $0xFFFFFFFF  }
0xae: {  	s26 =	simm.s32 $execute0_lowered;
	[smem:$0x3FD2] =	sst s25  }
0xaf: {  	s9 =	sshll.u32 s26, $0x1;
	_ =	strace $0x80000046;
	[dreg:$0x1] =	wrdreg $0xFFFFFFFF  }
0xb0: {  	s28 =	simm.s32 $_size_execute0_lowered;
	s8 =	sadd.s32 s8, s9;
	[dreg:$0x0] =	wrdreg $0x0  }
0xb1: {  	s9 =	sshll.u32 s28, $0x1;
	[dreg:$0x2] =	wrdreg s8  }
0xb2: {  	[dreg:$0x3] =	wrdreg s9  }
0xb3: {  	[dreg:$0x4] =	wrdreg $0xC0  }
0xb4: {  	_ =	task [dreg:s12], $0x5FFFF  }
0xb5: {  	[dreg:$0x1] =	wrdreg $0xFFFFFFFF  }
0xb6: {  	[dreg:$0x0] =	wrdreg $0x60  }
0xb7: {  	[dreg:$0x2] =	wrdreg s2  }
0xb8: {  	[dreg:$0x3] =	wrdreg s4  }
0xb9: {  	[dreg:$0x4] =	wrdreg s5  }
0xba: {  	[dreg:$0x5] =	wrdreg s6  }
0xbb: {  	[dreg:$0x6] =	wrdreg s17  }
0xbc: {  	[dreg:$0x7] =	wrdreg s18  }
0xbd: {  	[dreg:$0x8] =	wrdreg $0x79000  }
0xbe: {  	[dreg:$0x9] =	wrdreg $0x9  }
0xbf: {  	_ =	task.clear_ibuf [dreg:s12], $0xAFFFF;
	_ =	strace $0x90000046  }
0xc0: {  	s29 =	simm.s32 $0x9;
	_ =	strace $0x80000048  }
0xc1: {  	_ =	swait.ge [sflag:s29], $0x1  }
0xc2: {  	[sflag:s29] =	ssyncadd.s32 $0xFFFFFFFF  }
0xc3: {  	_ =	strace $0x90000048  }
0xc4: {  	_ =	sfence  }
0xc5: {  	s30 =	sld [smem:$0x0];
	_ =	sdelay $0x2  }
0xc6: {  	s31 =	sshll.u32 s1, $0xD;
	s1 =	sshrl.u32 s1, $0x2  }
0xc7: {  	s3 =	sand.u32 $0x4000, s31;
	s1 =	sadd.s32 s1, s30  }
0xc8: {  	s0 =	sor.u32 s3, s0;
	s1 =	sshll.u32 s1, $0x11  }
0xc9: {  	s0 =	sor.u32 s1, s0  }
0xca: {  	s0 =	sadd.s32 $0x8F2B, s0  }
0xcb: {  	[sflag:s0] =	ssyncadd.remote.s32 $0x1  }
0xcc: {  	_ =	sfence.sel $0xFFFF  }
0xcd: {  	[dreg:$0x0] =	wrdreg $0xFFFFFFFF;
	(pc) =	sbr.abs _section_cstart, $3  }
0xce: {  	[dreg:$0x1] =	wrdreg $0xFFFFFFFF  }
0xcf: {  	_ =	task.clear_ibuf [dreg:s12], $0x2FFFF;
	_ =	strace $0x9FFFFFFF  }
0xd0: {  	(tm) =	ssettm $0x7FFFFFFF  }
0xd1: {  	_ =	shalt  }
tec
execute0_lowered:
.L_overlay_start_1:
0x0: {  	(tag) =	ssettag $0x1  }
0x1: {  	s1 =	rddreg [dreg:$0x0]  }
0x2: {  	s0 =	rddreg [dreg:$0x1]  }
0x3: {  	s2 =	rddreg [dreg:$0x4]  }
0x4: {  	s3 =	rddreg [dreg:$0x5];
	s4 =	srdreg.scid  }
0x5: {  	s5 =	rddreg [dreg:$0x6];
	s20 =	stileid.u32  }
0x6: {  	s6 =	simm.s32 $0x0;
	s31 =	simm.s32 $0x7;
	s8 =	smul.u32 $0x280, s20  }
0x7: {  	s4 =	sand.u32 $0x1, s4;
	[smem:$0x7FF] =	sst s6;
	s14 =	smul.u32 $0x50000, s20  }
0x8: {  	s23 =	sshll.u32 s20, $0x7;
	s7 =	sshll.u32 s4, $0x4;
	s9 =	smul.u32 $0x2800, s4  }
0x9: {  	s11 =	ssub.s32 $0x2, s4;
	_ =	strace $0x80000047;
	s29 =	smul.u32 $0x271000, s4  }
0xa: {  	s25 =	sand.u32 $0x380, s23;
	s4 =	smul.u32 $0x27100, s4;
	s7 =	sor.u32 s20, s7  }
0xb: {  	s13 =	sshrl.u32 s11, $0x1;
	s26 =	sshrl.u32 s14, $0x2;
	s10 =	smul.u32 $0x2710, s7  }
0xc: {  	s12 =	smul.u32 $0x27100, s7;
	s7 =	sshrl.u32 s7, $0x3;
	s11 =	ssub.s32 s11, s13  }
0xd: {  	s8 =	sadd.s32 s8, s9;
	s9 =	sadd.s32 s26, s5;
	s7 =	smul.u32 $0x14000, s7  }
0xe: {  	s28 =	smax.u32 s11, $0x1;
	s13 =	sadd.s32 $0x5000, s9;
	s14 =	sadd.s32 $0x7800, s9  }
0xf: {  	s15 =	sadd.s32 $0xA000, s9;
	s16 =	sadd.s32 $0xC800, s9;
	s17 =	sadd.s32 $0xF000, s9  }
0x10: {  	s8 =	sshll.u32 s8, $0x4;
	s18 =	sadd.s32 $0x11800, s9;
	s11 =	smul.u32 $0x27100, s20  }
0x11: {  	s24 =	sadd.s32 s1, s12;
	s10 =	sshrl.u32 s10, $0x3;
	[dreg:$0xb] =	wrdreg s28  }
0x12: {  	s12 =	sadd.s32 $0x2800, s9;
	s19 =	sadd.s32 s2, s8;
	s1 =	sadd.s32 s29, s1  }
0x13: {  	s2 =	simm.s32 $0x5080;
	[dreg:$0x8] =	wrdreg s24;
	s10 =	sadd.s32 s0, s10  }
0x14: {  	s8 =	simm.s32 $0x2;
	s21 =	sadd.s32 $0xA00, s19;
	[dreg:$0x9] =	wrdreg s10  }
0x15: {  	s7 =	sor.u32 s25, s7;
	s23 =	sadd.s32 $0xF00, s19;
	[dreg:$0xd] =	wrdreg s21  }
0x16: {  	s1 =	sadd.s32 s11, s1;
	s26 =	sadd.s32 $0x1400, s19;
	[dreg:$0xe] =	wrdreg s23  }
0x17: {  	s28 =	sadd.s32 $0x1900, s19;
	s29 =	sadd.s32 $0x1E00, s19;
	[dreg:$0x11] =	wrdreg s26  }
0x18: {  	s30 =	sadd.s32 $0x2300, s19;
	s11 =	simm.s32 $0x5;
	[dreg:$0x12] =	wrdreg s28  }
0x19: {  	s7 =	sshrl.u32 s7, $0x3;
	s1 =	sadd.s32 $0xA00, s1;
	[dreg:$0x13] =	wrdreg s29  }
0x1a: {  	s10 =	smul.u32 $0x2710, s20;
	s3 =	sadd.s32 s3, s7;
	[dreg:$0xf] =	wrdreg s1  }
0x1b: {  	s21 =	simm.s32 $0x4;
	s7 =	sadd.s32 $0x500, s19;
	[dreg:$0xa] =	wrdreg s3  }
0x1c: {  	s23 =	simm.s32 $0x0;
	s1 =	simm.s32 $0x2880;
	[dreg:$0xc] =	wrdreg s7  }
0x1d: {  	s20 =	sadd.s32 s10, s4;
	s3 =	simm.s32 $0x5100;
	s4 =	simm.s32 $0x2800  }
0x1e: {  	s7 =	simm.s32 $0x1;
	s10 =	simm.s32 $0x50;
	s22 =	sadd.s32 $0x50, s20  }
0x1f: {  	s25 =	sadd.s32 $0xA0, s20;
	s20 =	simm.s32 $0x3;
	s24 =	sshrl.u32 s22, $0x3  }
0x20: {  	v0 =	vimm.f32 $1.000000000e+00;
	[dreg:$0x10] =	wrdreg s25;
	s22 =	simm.s32 $0x6;
	s25 =	sadd.s32 s24, s0  }
.LBB2_1:
0x21: {  	s24 =	rddreg [dreg:$0x2]  }
0x22: {  	[tilespmem:s6], [sflag:$0x7] =	stream.linear.gather [hbm4b:s24+s6], $0x2800, $0x38;
	[tilespmem:$0x1B900] =	vst v63  }
0x23: {  	_ =	swait.ge [sflag:s31], $0x2800  }
0x24: {  	[sflag:s31] =	ssyncset.done $0x0  }
0x25: {  	[sflag:s31] =	ssyncadd.s32 $0xFFFFD800  }
0x26: {  	[spmem:s9] =	stream.linear.scatter [tilespmem:s6], [sflag:$0x7], $0x2800, $0x38;
	[tilespmem:$0x1B900] =	vst v63  }
0x27: {  	_ =	swait.ge [sflag:s31], $0x2800  }
0x28: {  	[sflag:s31] =	ssyncset.done $0x0  }
0x29: {  	[sflag:s31] =	ssyncadd.s32 $0xFFFFD800  }
0x2a: {  	[spmem:s12] =	stream.linear.scatter [tilespmem:s6], [sflag:$0x7], $0x2800, $0x38;
	[tilespmem:$0x1B900] =	vst v63  }
0x2b: {  	_ =	swait.ge [sflag:s31], $0x2800  }
0x2c: {  	[sflag:s31] =	ssyncset.done $0x0  }
0x2d: {  	[sflag:s31] =	ssyncadd.s32 $0xFFFFD800  }
0x2e: {  	[spmem:s13] =	stream.linear.scatter [tilespmem:s6], [sflag:$0x7], $0x2800, $0x38;
	[tilespmem:$0x1B900] =	vst v63  }
0x2f: {  	_ =	swait.ge [sflag:s31], $0x2800  }
0x30: {  	[sflag:s31] =	ssyncset.done $0x0  }
0x31: {  	[sflag:s31] =	ssyncadd.s32 $0xFFFFD800  }
0x32: {  	[spmem:s14] =	stream.linear.scatter [tilespmem:s6], [sflag:$0x7], $0x2800, $0x38;
	[tilespmem:$0x1B900] =	vst v63  }
0x33: {  	_ =	swait.ge [sflag:s31], $0x2800  }
0x34: {  	[sflag:s31] =	ssyncset.done $0x0  }
0x35: {  	[sflag:s31] =	ssyncadd.s32 $0xFFFFD800  }
0x36: {  	[spmem:s15] =	stream.linear.scatter [tilespmem:s6], [sflag:$0x7], $0x2800, $0x38;
	[tilespmem:$0x1B900] =	vst v63  }
0x37: {  	_ =	swait.ge [sflag:s31], $0x2800  }
0x38: {  	[sflag:s31] =	ssyncset.done $0x0  }
0x39: {  	[sflag:s31] =	ssyncadd.s32 $0xFFFFD800  }
0x3a: {  	[spmem:s16] =	stream.linear.scatter [tilespmem:s6], [sflag:$0x7], $0x2800, $0x38;
	[tilespmem:$0x1B900] =	vst v63  }
0x3b: {  	_ =	swait.ge [sflag:s31], $0x2800  }
0x3c: {  	[sflag:s31] =	ssyncset.done $0x0  }
0x3d: {  	[sflag:s31] =	ssyncadd.s32 $0xFFFFD800  }
0x3e: {  	[spmem:s17] =	stream.linear.scatter [tilespmem:s6], [sflag:$0x7], $0x2800, $0x38;
	[tilespmem:$0x1B900] =	vst v63  }
0x3f: {  	_ =	swait.ge [sflag:s31], $0x2800  }
0x40: {  	[sflag:s31] =	ssyncset.done $0x0  }
0x41: {  	[sflag:s31] =	ssyncadd.s32 $0xFFFFD800  }
0x42: {  	[spmem:s18] =	stream.linear.scatter [tilespmem:s6], [sflag:$0x7], $0x2800, $0x38;
	[tilespmem:$0x1B900] =	vst v63  }
0x43: {  	_ =	swait.ge [sflag:s31], $0x2800  }
0x44: {  	[sflag:s31] =	ssyncset.done $0x0  }
0x45: {  	[sflag:s31] =	ssyncadd.s32 $0xFFFFD800  }
0x46: {  	s29 =	rddreg [dreg:$0x3]  }
0x47: {  	[tilespmem:s3], [sflag:$0x7] =	stream.linear.gather [hbm4b:s29+s6], $0x2800, $0x38;
	[tilespmem:$0x1B900] =	vst v63  }
0x48: {  	_ =	swait.ge [sflag:s31], $0x2800  }
0x49: {  	[sflag:s31] =	ssyncset.done $0x0  }
0x4a: {  	[sflag:s31] =	ssyncadd.s32 $0xFFFFD800  }
0x4b: {  	[bflag:$0x0] =	sbarrier.arrive $0xFFFF  }
0x4c: {  	s26 =	rddreg [dreg:$0x8]  }
0x4d: {  	s29 =	rddreg [dreg:$0x9]  }
0x4e: {  	s24 =	rddreg [dreg:$0x10]  }
0x4f: {  	[tilespmem:s6], [sflag:$0x1] =	stream.linear.gather [hbm4b:s26+s6], $0x2800, $0x38;
	[tilespmem:$0x1B900] =	vst v63  }
0x50: {  	s28 =	simm.s32 $0x0;
	s26 =	rddreg [dreg:$0xf]  }
0x51: {  	[tilespmem:s4], [sflag:$0x2] =	stream.linear.gather [hbm4b:s29+s6], $0x50, $0x38;
	[tilespmem:$0x1B900] =	vst v63  }
.LBB2_2:
0x52: {  	s29 =	sadd.s32 $0xFFFFFB00, s26  }
0x53: {  	[tilespmem:s1], [sflag:$0x3] =	stream.linear.gather [hbm4b:s29+s6], $0x2800, $0x38;
	[tilespmem:$0x1B900] =	vst v63  }
0x54: {  	s29 =	sadd.s32 s28, s25  }
0x55: {  	[tilespmem:s2], [sflag:$0x4] =	stream.linear.gather [hbm4b:s29+s6], $0x50, $0x38;
	[tilespmem:$0x1B900] =	vst v63  }
0x56: {  	_ =	swait.ge [sflag:s7], $0x2800  }
0x57: {  	[sflag:s7] =	ssyncset.done $0x0  }
0x58: {  	[sflag:s7] =	ssyncadd.s32 $0xFFFFD800  }
0x59: {  	_ =	swait.ge [sflag:s8], $0x50  }
0x5a: {  	[sflag:s8] =	ssyncset.done $0x0  }
0x5b: {  	[sflag:s8] =	ssyncadd.s32 $0xFFFFFFB0  }
0x5c: {  	[spmem:s5] =	stream.indirect.scatter.add.f32 [tilespmem:s6], [sflag:$0x5], $0x80, s4, s10, $0xb8;
	[tilespmem:$0x1B900] =	vst v63  }
0x5d: {  	v1 =	vld [tilespmem:$0x2800];
	_ =	sdelay $0x7  }
0x5e: {  	[tilespmem:v1+s3+$0x0] =	vst.idx.add.f32.msk $0xffff, v0  }
0x5f: {  	v1 =	vld [tilespmem:$0x2810];
	_ =	sdelay $0x7  }
0x60: {  	[tilespmem:v1+s3+$0x0] =	vst.idx.add.f32.msk $0xffff, v0  }
0x61: {  	v1 =	vld [tilespmem:$0x2820];
	_ =	sdelay $0x7  }
0x62: {  	[tilespmem:v1+s3+$0x0] =	vst.idx.add.f32.msk $0xffff, v0  }
0x63: {  	v1 =	vld [tilespmem:$0x2830];
	_ =	sdelay $0x7  }
0x64: {  	[tilespmem:v1+s3+$0x0] =	vst.idx.add.f32.msk $0xffff, v0  }
0x65: {  	v1 =	vld [tilespmem:$0x2840];
	_ =	sdelay $0x7  }
0x66: {  	[tilespmem:v1+s3+$0x0] =	vst.idx.add.f32.msk $0xffff, v0  }
0x67: {  	_ =	swait.ge [sflag:s11], $0x2800  }
0x68: {  	[sflag:s11] =	ssyncset.done $0x0  }
0x69: {  	s29 =	sshrl.u32 s24, $0x3;
	[sflag:s11] =	ssyncadd.s32 $0xFFFFD800  }
0x6a: {  	[tilespmem:s6], [sflag:$0x1] =	stream.linear.gather [hbm4b:s26+s6], $0x2800, $0x38;
	[tilespmem:$0x1B900] =	vst v63  }
0x6b: {  	s29 =	sadd.s32 s0, s29  }
0x6c: {  	[tilespmem:s4], [sflag:$0x2] =	stream.linear.gather [hbm4b:s29+s6], $0x50, $0x38;
	[tilespmem:$0x1B900] =	vst v63  }
0x6d: {  	_ =	swait.ge [sflag:s20], $0x2800  }
0x6e: {  	[sflag:s20] =	ssyncset.done $0x0  }
0x6f: {  	[sflag:s20] =	ssyncadd.s32 $0xFFFFD800  }
0x70: {  	_ =	swait.ge [sflag:s21], $0x50  }
0x71: {  	[sflag:s21] =	ssyncset.done $0x0  }
0x72: {  	[sflag:s21] =	ssyncadd.s32 $0xFFFFFFB0  }
0x73: {  	[spmem:s5] =	stream.indirect.scatter.add.f32 [tilespmem:s1], [sflag:$0x6], $0x80, s2, s10, $0xb8;
	[tilespmem:$0x1B900] =	vst v63  }
0x74: {  	v1 =	vld [tilespmem:$0x5080];
	_ =	sdelay $0x7  }
0x75: {  	[tilespmem:v1+s3+$0x0] =	vst.idx.add.f32.msk $0xffff, v0  }
0x76: {  	v1 =	vld [tilespmem:$0x5090];
	_ =	sdelay $0x7  }
0x77: {  	[tilespmem:v1+s3+$0x0] =	vst.idx.add.f32.msk $0xffff, v0  }
0x78: {  	v1 =	vld [tilespmem:$0x50A0];
	_ =	sdelay $0x7  }
0x79: {  	[tilespmem:v1+s3+$0x0] =	vst.idx.add.f32.msk $0xffff, v0  }
0x7a: {  	v1 =	vld [tilespmem:$0x50B0];
	_ =	sdelay $0x7  }
0x7b: {  	[tilespmem:v1+s3+$0x0] =	vst.idx.add.f32.msk $0xffff, v0  }
0x7c: {  	v1 =	vld [tilespmem:$0x50C0];
	_ =	sdelay $0x5  }
0x7d: {  	p0 =	sne.s32 s28, $0x4C4  }
.Ltmp0:
0x7e: {  	_ = 	snop;
	(pc) =	sbr.rel @p0 .LBB2_2-.Ltmp0, $4  }
0x7f: {  	[tilespmem:v1+s3+$0x0] =	vst.idx.add.f32.msk $0xffff, v0  }
0x80: {  	_ =	swait.ge [sflag:s22], $0x2800  }
0x81: {  	s28 =	sadd.s32 $0x14, s28;
	[sflag:s22] =	ssyncset.done $0x0  }
0x82: {  	s24 =	sadd.s32 $0xA0, s24;
	s26 =	sadd.s32 $0xA00, s26;
	[sflag:s22] =	ssyncadd.s32 $0xFFFFD800  }
0x83: {  	_ =	swait.ge [sflag:s7], $0x2800  }
0x84: {  	[sflag:s7] =	ssyncset.done $0x0  }
0x85: {  	[sflag:s7] =	ssyncadd.s32 $0xFFFFD800  }
0x86: {  	_ =	swait.ge [sflag:s8], $0x50  }
0x87: {  	[sflag:s8] =	ssyncset.done $0x0  }
0x88: {  	[sflag:s8] =	ssyncadd.s32 $0xFFFFFFB0  }
0x89: {  	[spmem:s5] =	stream.indirect.scatter.add.f32 [tilespmem:s6], [sflag:$0x5], $0x80, s4, s10, $0xb8;
	[tilespmem:$0x1B900] =	vst v63  }
0x8a: {  	v1 =	vld [tilespmem:$0x2800];
	_ =	sdelay $0x7  }
0x8b: {  	[tilespmem:v1+s3+$0x0] =	vst.idx.add.f32.msk $0xffff, v0  }
0x8c: {  	v1 =	vld [tilespmem:$0x2810];
	_ =	sdelay $0x7  }
0x8d: {  	[tilespmem:v1+s3+$0x0] =	vst.idx.add.f32.msk $0xffff, v0  }
0x8e: {  	v1 =	vld [tilespmem:$0x2820];
	_ =	sdelay $0x7  }
0x8f: {  	[tilespmem:v1+s3+$0x0] =	vst.idx.add.f32.msk $0xffff, v0  }
0x90: {  	v1 =	vld [tilespmem:$0x2830];
	_ =	sdelay $0x7  }
0x91: {  	[tilespmem:v1+s3+$0x0] =	vst.idx.add.f32.msk $0xffff, v0  }
0x92: {  	v1 =	vld [tilespmem:$0x2840];
	_ =	sdelay $0x7  }
0x93: {  	[tilespmem:v1+s3+$0x0] =	vst.idx.add.f32.msk $0xffff, v0  }
0x94: {  	_ =	swait.ge [sflag:s11], $0x2800  }
0x95: {  	[sflag:s11] =	ssyncset.done $0x0  }
0x96: {  	[sflag:s11] =	ssyncadd.s32 $0xFFFFD800  }
0x97: {  	[bflag:$0x0] =	sbarrier.arrive $0xFFFF  }
0x98: {  	[tilespmem:s6], [sflag:$0x7] =	stream.linear.gather [spmem:s9], $0x2800, $0x38;
	[tilespmem:$0x1B900] =	vst v63  }
0x99: {  	_ =	swait.ge [sflag:s31], $0x2800  }
0x9a: {  	[sflag:s31] =	ssyncset.done $0x0  }
0x9b: {  	[sflag:s31] =	ssyncadd.s32 $0xFFFFD800  }
0x9c: {  	[hbm4b:s19+s6] =	stream.linear.scatter [tilespmem:s6], [sflag:$0x7], $0x2800, $0x38;
	[tilespmem:$0x1B900] =	vst v63  }
0x9d: {  	_ =	swait.ge [sflag:s31], $0x2800  }
0x9e: {  	[sflag:s31] =	ssyncset.done $0x0  }
0x9f: {  	[sflag:s31] =	ssyncadd.s32 $0xFFFFD800  }
0xa0: {  	[tilespmem:s6], [sflag:$0x7] =	stream.linear.gather [spmem:s12], $0x2800, $0x38;
	[tilespmem:$0x1B900] =	vst v63  }
0xa1: {  	_ =	swait.ge [sflag:s31], $0x2800  }
0xa2: {  	[sflag:s31] =	ssyncset.done $0x0  }
0xa3: {  	s24 =	rddreg [dreg:$0xc];
	[sflag:s31] =	ssyncadd.s32 $0xFFFFD800  }
0xa4: {  	[hbm4b:s24+s6] =	stream.linear.scatter [tilespmem:s6], [sflag:$0x7], $0x2800, $0x38;
	[tilespmem:$0x1B900] =	vst v63  }
0xa5: {  	_ =	swait.ge [sflag:s31], $0x2800  }
0xa6: {  	[sflag:s31] =	ssyncset.done $0x0  }
0xa7: {  	[sflag:s31] =	ssyncadd.s32 $0xFFFFD800  }
0xa8: {  	[tilespmem:s6], [sflag:$0x7] =	stream.linear.gather [spmem:s13], $0x2800, $0x38;
	[tilespmem:$0x1B900] =	vst v63  }
0xa9: {  	_ =	swait.ge [sflag:s31], $0x2800  }
0xaa: {  	[sflag:s31] =	ssyncset.done $0x0  }
0xab: {  	s26 =	rddreg [dreg:$0xd];
	[sflag:s31] =	ssyncadd.s32 $0xFFFFD800  }
0xac: {  	[hbm4b:s26+s6] =	stream.linear.scatter [tilespmem:s6], [sflag:$0x7], $0x2800, $0x38;
	[tilespmem:$0x1B900] =	vst v63  }
0xad: {  	_ =	swait.ge [sflag:s31], $0x2800  }
0xae: {  	[sflag:s31] =	ssyncset.done $0x0  }
0xaf: {  	[sflag:s31] =	ssyncadd.s32 $0xFFFFD800  }
0xb0: {  	[tilespmem:s6], [sflag:$0x7] =	stream.linear.gather [spmem:s14], $0x2800, $0x38;
	[tilespmem:$0x1B900] =	vst v63  }
0xb1: {  	_ =	swait.ge [sflag:s31], $0x2800  }
0xb2: {  	[sflag:s31] =	ssyncset.done $0x0  }
0xb3: {  	s28 =	rddreg [dreg:$0xe];
	[sflag:s31] =	ssyncadd.s32 $0xFFFFD800  }
0xb4: {  	[hbm4b:s28+s6] =	stream.linear.scatter [tilespmem:s6], [sflag:$0x7], $0x2800, $0x38;
	[tilespmem:$0x1B900] =	vst v63  }
0xb5: {  	_ =	swait.ge [sflag:s31], $0x2800  }
0xb6: {  	[sflag:s31] =	ssyncset.done $0x0  }
0xb7: {  	[sflag:s31] =	ssyncadd.s32 $0xFFFFD800  }
0xb8: {  	[tilespmem:s6], [sflag:$0x7] =	stream.linear.gather [spmem:s15], $0x2800, $0x38;
	[tilespmem:$0x1B900] =	vst v63  }
0xb9: {  	_ =	swait.ge [sflag:s31], $0x2800  }
0xba: {  	[sflag:s31] =	ssyncset.done $0x0  }
0xbb: {  	s29 =	rddreg [dreg:$0x11];
	[sflag:s31] =	ssyncadd.s32 $0xFFFFD800  }
0xbc: {  	[hbm4b:s29+s6] =	stream.linear.scatter [tilespmem:s6], [sflag:$0x7], $0x2800, $0x38;
	[tilespmem:$0x1B900] =	vst v63  }
0xbd: {  	_ =	swait.ge [sflag:s31], $0x2800  }
0xbe: {  	[sflag:s31] =	ssyncset.done $0x0  }
0xbf: {  	[sflag:s31] =	ssyncadd.s32 $0xFFFFD800  }
0xc0: {  	[tilespmem:s6], [sflag:$0x7] =	stream.linear.gather [spmem:s16], $0x2800, $0x38;
	[tilespmem:$0x1B900] =	vst v63  }
0xc1: {  	_ =	swait.ge [sflag:s31], $0x2800  }
0xc2: {  	[sflag:s31] =	ssyncset.done $0x0  }
0xc3: {  	s26 =	rddreg [dreg:$0x12];
	[sflag:s31] =	ssyncadd.s32 $0xFFFFD800  }
0xc4: {  	[hbm4b:s26+s6] =	stream.linear.scatter [tilespmem:s6], [sflag:$0x7], $0x2800, $0x38;
	[tilespmem:$0x1B900] =	vst v63  }
0xc5: {  	_ =	swait.ge [sflag:s31], $0x2800  }
0xc6: {  	[sflag:s31] =	ssyncset.done $0x0  }
0xc7: {  	[sflag:s31] =	ssyncadd.s32 $0xFFFFD800  }
0xc8: {  	[tilespmem:s6], [sflag:$0x7] =	stream.linear.gather [spmem:s17], $0x2800, $0x38;
	[tilespmem:$0x1B900] =	vst v63  }
0xc9: {  	_ =	swait.ge [sflag:s31], $0x2800  }
0xca: {  	[sflag:s31] =	ssyncset.done $0x0  }
0xcb: {  	s28 =	rddreg [dreg:$0x13];
	[sflag:s31] =	ssyncadd.s32 $0xFFFFD800  }
0xcc: {  	[hbm4b:s28+s6] =	stream.linear.scatter [tilespmem:s6], [sflag:$0x7], $0x2800, $0x38;
	[tilespmem:$0x1B900] =	vst v63  }
0xcd: {  	_ =	swait.ge [sflag:s31], $0x2800  }
0xce: {  	[sflag:s31] =	ssyncset.done $0x0  }
0xcf: {  	[sflag:s31] =	ssyncadd.s32 $0xFFFFD800  }
0xd0: {  	[tilespmem:s6], [sflag:$0x7] =	stream.linear.gather [spmem:s18], $0x2800, $0x38;
	[tilespmem:$0x1B900] =	vst v63  }
0xd1: {  	_ =	swait.ge [sflag:s31], $0x2800  }
0xd2: {  	[sflag:s31] =	ssyncset.done $0x0  }
0xd3: {  	[sflag:s31] =	ssyncadd.s32 $0xFFFFD800  }
0xd4: {  	[hbm4b:s30+s6] =	stream.linear.scatter [tilespmem:s6], [sflag:$0x7], $0x2800, $0x38;
	[tilespmem:$0x1B900] =	vst v63  }
0xd5: {  	_ =	swait.ge [sflag:s31], $0x2800  }
0xd6: {  	s26 =	simm.s32 $0x80;
	[sflag:s31] =	ssyncset.done $0x0  }
0xd7: {  	s28 =	simm.s32 $0x400;
	s29 =	rddreg [dreg:$0xa];
	[sflag:s31] =	ssyncadd.s32 $0xFFFFD800  }
0xd8: {  	[hbm4b:s29+s26] =	stream.strided.scatter [tilespmem:s3], [sflag:$0x7], $0x2800, s28, s26, $0x38;
	[tilespmem:$0x1B900] =	vst v63  }
0xd9: {  	_ =	swait.ge [sflag:s31], $0x2800  }
0xda: {  	s23 =	sadd.s32 $0x1, s23;
	s29 =	rddreg [dreg:$0xb]  }
0xdb: {  	p0 =	sne.s32 s23, s29  }
.Ltmp1:
0xdc: {  	_ = 	snop;
	(pc) =	sbr.rel @p0 .LBB2_1-.Ltmp1, $3  }
0xdd: {  	_ =	sdelay $0x1  }
0xde: {  	[sflag:s31] =	ssyncset.done $0x0  }
0xdf: {  	[sflag:s31] =	ssyncadd.s32 $0xFFFFD800  }
0xe0: {  	_ =	sfence.sel $0x180000  }
0xe1: {  	[bflag:$0x0] =	sbarrier.arrive $0xFFFF  }
0xe2: {  	_ =	strace $0x90000047  }
0xe3: {  	s0 =	stileid.u32;
	[bflag:$0x2] =	sbarrier.arrive $0xFFFF  }
0xe4: {  	p0 =	sne.s32 s0, $0x0;
	s0 =	rddreg [dreg:$0x7]  }
0xe5: {  	s0 =	sadd.s32 @!p0 $0x100000, s0  }
0xe6: {  	[sflag:s0] =	ssyncadd.tile.s32 @!p0 $0x1;
	_ =	shalt  }
.Lfunc_end2:
_tile_overlayer_lowered:
.L_overlay_start_2:
0xe7: {  	(tag) =	ssettag $0x2  }
0xe8: {  	s0 =	rddreg [dreg:$0x0];
	s2 =	stileid.u32  }
0xe9: {  	s1 =	rddreg [dreg:$0x1];
	p0 =	sne.s32 s2, $0x0  }
0xea: {  	s3 =	rddreg [dreg:$0x2];
	[bflag:$0x3] =	sbarrier.arrive $0xFFFF;
	s2 =	simm.s32 @!p0 $0x1C07  }
0xeb: {  	[timem:s3], [sflag:s2] =	dma.local @!p0 [hbm:s0], s1  }
0xec: {  	s0 =	simm.s32 @!p0 $0x7  }
0xed: {  	_ =	swait.ge @!p0 [sflag:s0], s1  }
0xee: {  	s1 =	ssub.s32 @!p0 $0x0, s1;
	[sflag:s0] =	ssyncset.done @!p0 $0x0  }
0xef: {  	[sflag:s0] =	ssyncadd.s32 @!p0 s1  }
0xf0: {  	[bflag:$0x3] =	sbarrier.arrive $0xFFFF  }
0xf1: {  	_ =	shalt  }

</sc_bundles>
